<compile_context>
chip_gen: v7x
topology: tpu7x:2x2x1
jax: 0.10.2.dev20260603
libtpu: 0.0.44.dev20260713+nightly
codegen_flags: <defaults>
</compile_context>

<pallas_src>
import functools
import jax
import jax.numpy as jnp
from jax import lax
from jax.experimental import pallas as pl
from jax.experimental.pallas import tpu as pltpu
from jax.experimental.pallas import tpu_sc as plsc

_BP = 512

_P = 50176
_K = 1024
_NW = 32
_PPW = _P // _NW
_R = 16
_NCHUNK = _PPW // _R


def _labels_body(xf_ref, c_ref, lab_ref, cb_ref, csqh_ref):
    @pl.when(pl.program_id(0) == 0)
    def _():
        c = c_ref[...]
        cb_ref[...] = c.astype(jnp.bfloat16)
        ones = jnp.ones((1, c.shape[1]), jnp.float32)
        csqh_ref[...] = 0.5 * jax.lax.dot_general(
            ones, c * c,
            dimension_numbers=(((1,), (1,)), ((), ())),
            preferred_element_type=jnp.float32,
            precision=jax.lax.Precision.HIGHEST,
        )

    d = jax.lax.dot_general(
        xf_ref[...].astype(jnp.bfloat16), cb_ref[...],
        dimension_numbers=(((1,), (1,)), ((), ())),
        preferred_element_type=jnp.float32,
    )
    s = d - csqh_ref[...]
    lab_ref[...] = jnp.argmax(s, axis=1).astype(jnp.int32)[:, None]


def _labels_tc(xf, cluster_centers):
    K, C = cluster_centers.shape
    grid = _P // _BP
    return pl.pallas_call(
        _labels_body,
        grid=(grid,),
        in_specs=[
            pl.BlockSpec((_BP, C), lambda i: (i, 0)),
            pl.BlockSpec((K, C), lambda i: (0, 0)),
        ],
        out_specs=pl.BlockSpec((_BP, 1), lambda i: (i, 0)),
        out_shape=jax.ShapeDtypeStruct((_P, 1), jnp.int32),
        scratch_shapes=[
            pltpu.VMEM((K, C), jnp.bfloat16),
            pltpu.VMEM((1, K), jnp.float32),
        ],
    )(xf, cluster_centers)


def _onehot_sc(labels):
    mesh = plsc.VectorSubcoreMesh(
        core_axis_name="c", subcore_axis_name="s", num_cores=2, num_subcores=16
    )

    @functools.partial(
        pl.kernel,
        mesh=mesh,
        compiler_params=pltpu.CompilerParams(
            use_tc_tiling_on_sc=False, needs_layout_passes=False
        ),
        out_type=jax.ShapeDtypeStruct((_P, _K), jnp.float32),
        scratch_types=[
            pltpu.VMEM((_PPW,), jnp.int32),
            pltpu.VMEM((_R, _K), jnp.float32),
            pltpu.VMEM((_R, _K), jnp.float32),
            pltpu.SemaphoreType.DMA,
            pltpu.SemaphoreType.DMA,
        ],
    )
    def k(labels_hbm, out_hbm, lab_v, buf_a, buf_b, sem_a, sem_b):
        wid = lax.axis_index("s") * 2 + lax.axis_index("c")
        base = wid * _PPW
        pltpu.sync_copy(labels_hbm.at[pl.ds(base, _PPW)], lab_v)

        zero16 = jnp.zeros((16,), jnp.float32)
        ones16 = jnp.ones((16,), jnp.float32)
        lane = lax.iota(jnp.int32, 16)
        bufs = (buf_a, buf_b)
        sems = (sem_a, sem_b)

        for buf in bufs:
            def zbody(i, _):
                r = i // (_K // 16)
                col = lax.rem(i, _K // 16) * 16
                buf[r, pl.ds(col, 16)] = zero16
                return 0
            lax.fori_loop(0, _R * _K // 16, zbody, 0)

        def scatter_chunk(buf, cidx, val16):
            labs = lab_v[pl.ds(cidx * _R, 16)]
            plsc.store_scatter(buf, [lane, labs], val16)

        def chunk_body(cidx, _):
            for par in range(2):
                @pl.when(lax.rem(cidx, 2) == par)
                def _():
                    buf, sem = bufs[par], sems[par]

                    @pl.when(cidx >= 2)
                    def _():
                        pltpu.make_async_copy(
                            buf, out_hbm.at[pl.ds(base + (cidx - 2) * _R, _R)],
                            sem,
                        ).wait()
                        scatter_chunk(buf, cidx - 2, zero16)

                    scatter_chunk(buf, cidx, ones16)
                    pltpu.async_copy(
                        buf, out_hbm.at[pl.ds(base + cidx * _R, _R)], sem,
                    )
            return 0

        lax.fori_loop(0, _NCHUNK, chunk_body, 0)

        for cidx in (_NCHUNK - 2, _NCHUNK - 1):
            buf, sem = bufs[cidx % 2], sems[cidx % 2]
            pltpu.make_async_copy(
                buf, out_hbm.at[pl.ds(base + cidx * _R, _R)], sem,
            ).wait()

    return k(labels)


def kernel(x, cluster_centers):
    H, W, C = x.shape
    K = cluster_centers.shape[0]
    xf = x.reshape(H * W, C)
    labels = _labels_tc(xf, cluster_centers).reshape(H * W)
    out = _onehot_sc(labels)
    return out.reshape(H, W, K)

# --- scband reference (transcript-rebuilt; emitter-appended) ---
"""Pipeline reference for scband-custom-transform-18966575579443 (READ-ONLY COPY).

The authoritative reference and input builder live on the scoring server;
editing this copy changes nothing except your own understanding.
"""

import jax, jax.numpy as jnp
import numpy as np


def setup_inputs(seed: int = 0) -> dict:
    key = jax.random.key(seed)
    k1, k2 = jax.random.split(key)
    x = jax.random.normal(k1, (224, 224, 384), dtype=jnp.float32)
    cluster_centers = jax.random.normal(k2, (1024, 384), dtype=jnp.float32)
    return {"x": x, "cluster_centers": cluster_centers}


def reference(x, cluster_centers):
    # Faithful translation of CustomTransform.forward:
    #   x: (H, W, C) -> flatten pixels -> KMeans.predict (nearest cluster center)
    #   -> OneHotEncoder.transform -> reshape to (H, W, n_clusters)
    H, W, C = x.shape
    xf = x.reshape(-1, C)
    # squared-euclidean distance to each cluster center (KMeans.predict semantics)
    x_sq = jnp.sum(xf * xf, axis=1, keepdims=True)            # (P, 1)
    c_sq = jnp.sum(cluster_centers * cluster_centers, axis=1)  # (K,)
    dists = x_sq - 2.0 * (xf @ cluster_centers.T) + c_sq[None, :]  # (P, K)
    labels = jnp.argmin(dists, axis=1)                         # KMeans.predict
    onehot = jax.nn.one_hot(labels, cluster_centers.shape[0], dtype=jnp.float32)  # OneHotEncoder.transform (dense)
    return onehot.reshape(H, W, -1)

if __name__ == "__main__":
    import jax
    _d = setup_inputs()
    print(jax.jit(kernel)(*tuple(_d.values())))

</pallas_src>

<mosaic_0001>
#map = affine_map<(d0, d1) -> (0)>
#map1 = affine_map<(d0, d1) -> (0, 0)>
module attributes {stable_mosaic.version = 14 : i64} {
  func.func @k(%arg0: i32, %arg1: i32, %arg2: memref<50176xi32, #tpu.memory_space<hbm>>, %arg3: memref<50176x1024xf32, #tpu.memory_space<hbm>>, %arg4: memref<1568xi32, #tpu.memory_space<vmem>>, %arg5: memref<16x1024xf32, #tpu.memory_space<vmem>>, %arg6: memref<16x1024xf32, #tpu.memory_space<vmem>>, %arg7: memref<!tpu.dma_semaphore, #tpu.memory_space<semaphore_mem>>, %arg8: memref<!tpu.dma_semaphore, #tpu.memory_space<semaphore_mem>>) attributes {dimension_semantics = [#tpu.dimension_semantics<core_parallel>, #tpu.dimension_semantics<subcore_parallel>], iteration_bounds = array<i64: 2, 16>, scalar_prefetch = 0 : i64, scratch_operands = 5 : i64, tpu.core_type = #tpu.core_type<sc_vector_subcore>, window_params = [{transform_indices = #map}, {transform_indices = #map1}]} {
    %mul3A = arith.constant 2 : i32
    %mul3A_0 = arith.muli %arg1, %mul3A : i32
    %add3A = arith.addi %mul3A_0, %arg0 : i32
    %mul3A_1 = arith.constant 1568 : i32
    %mul3A_2 = arith.muli %add3A, %mul3A_1 : i32
    "tpu.region"() ({
      %run_scoped3A = tpu.sem_alloc : memref<!tpu.dma_semaphore, #tpu.memory_space<semaphore_mem>>
      %dma_start3A = tpu.memref_slice %arg2[%mul3A_2] : memref<50176xi32, #tpu.memory_space<hbm>> -> memref<1568xi32, #tpu.memory_space<hbm>>
      %dma_start3A_37 = tpu.memref_slice %arg2[%mul3A_2] : memref<50176xi32, #tpu.memory_space<hbm>> -> memref<1568xi32, #tpu.memory_space<hbm>>
      tpu.enqueue_dma source(%dma_start3A_37 : memref<1568xi32, #tpu.memory_space<hbm>>) target(%arg4 : memref<1568xi32, #tpu.memory_space<vmem>>) target_semaphore(%run_scoped3A : memref<!tpu.dma_semaphore, #tpu.memory_space<semaphore_mem>>)
      %dma_wait3A_38 = tpu.memref_slice %arg2[%mul3A_2] : memref<50176xi32, #tpu.memory_space<hbm>> -> memref<1568xi32, #tpu.memory_space<hbm>>
      %dma_wait3A_39 = tpu.memref_slice %arg2[%mul3A_2] : memref<50176xi32, #tpu.memory_space<hbm>> -> memref<1568xi32, #tpu.memory_space<hbm>>
      tpu.wait_dma2 semaphore(%run_scoped3A : memref<!tpu.dma_semaphore, #tpu.memory_space<semaphore_mem>>) src(%dma_wait3A_39 : memref<1568xi32, #tpu.memory_space<hbm>>) dst(%arg4 : memref<1568xi32, #tpu.memory_space<vmem>>)
      tpu.yield
    }) : () -> ()
    %broadcast_in_dim3A = arith.constant 0.000000e+00 : f32
    %broadcast_in_dim3A_3 = vector.broadcast %broadcast_in_dim3A : f32 to vector<16xf32>
    %broadcast_in_dim3A_4 = arith.constant 1.000000e+00 : f32
    %broadcast_in_dim3A_5 = vector.broadcast %broadcast_in_dim3A_4 : f32 to vector<16xf32>
    %iota3A = tpu.iota {dimensions = array<i32: 0>} : vector<16xi32>
    %scan3A = arith.constant 0 : i32
    %scan3A_6 = arith.constant 0 : i32
    %scan3A_7 = arith.constant 1024 : i32
    %scan3A_8 = arith.addi %scan3A_6, %scan3A_7 : i32
    %scan3A_9 = arith.constant 1 : i32
    %scan3A_10 = scf.for %scan3A_37 = %scan3A_6 to %scan3A_8 step %scan3A_9 iter_args(%scan3A_38 = %scan3A) -> (i32)  : i32 {
      %jit3A = arith.constant 64 : i32
      %div3A = arith.divsi %scan3A_37, %jit3A : i32
      %sign3A = arith.constant 0 : i32
      %sign3A_39 = arith.cmpi sgt, %scan3A_37, %sign3A : i32
      %sign3A_40 = arith.extui %sign3A_39 : i1 to i32
      %sign3A_41 = arith.constant 0 : i32
      %sign3A_42 = arith.cmpi slt, %scan3A_37, %sign3A_41 : i32
      %sign3A_43 = arith.extui %sign3A_42 : i1 to i32
      %sign3A_44 = arith.subi %sign3A_40, %sign3A_43 : i32
      %sign3A_45 = arith.constant 0 : i32
      %sign3A_46 = arith.cmpi sgt, %jit3A, %sign3A_45 : i32
      %sign3A_47 = arith.extui %sign3A_46 : i1 to i32
      %sign3A_48 = arith.constant 0 : i32
      %sign3A_49 = arith.cmpi slt, %jit3A, %sign3A_48 : i32
      %sign3A_50 = arith.extui %sign3A_49 : i1 to i32
      %sign3A_51 = arith.subi %sign3A_47, %sign3A_50 : i32
      %ne3A = arith.cmpi ne, %sign3A_44, %sign3A_51 : i32
      %rem3A = arith.remsi %scan3A_37, %jit3A : i32
      %ne3A_52 = arith.constant 0 : i32
      %ne3A_53 = arith.cmpi ne, %rem3A, %ne3A_52 : i32
      %and3A = arith.andi %ne3A, %ne3A_53 : i1
      %sub3A = arith.constant 1 : i32
      %sub3A_54 = arith.subi %div3A, %sub3A : i32
      %select_n3A = arith.select %and3A, %sub3A_54, %div3A : i32
      %rem3A_55 = arith.constant 64 : i32
      %rem3A_56 = arith.remsi %scan3A_37, %rem3A_55 : i32
      %mul3A_57 = arith.constant 16 : i32
      %mul3A_58 = arith.muli %rem3A_56, %mul3A_57 : i32
      %swap3A = arith.index_cast %select_n3A : i32 to index
      %swap3A_59 = arith.index_cast %mul3A_58 : i32 to index
      %swap3A_60 = tpu.vector_load %arg5[%swap3A, %swap3A_59] {strides = array<i32>} : memref<16x1024xf32, #tpu.memory_space<vmem>>, vector<16xf32>,
      tpu.vector_store %arg5[%swap3A, %swap3A_59], %broadcast_in_dim3A_3 {strides = array<i32>} : memref<16x1024xf32, #tpu.memory_space<vmem>>, vector<16xf32>,
      %scan3A_61 = arith.constant 0 : i32
      scf.yield %scan3A_61 : i32
    }
    %scan3A_11 = arith.constant 1024 : i32
    %scan3A_12 = arith.constant 0 : i32
    %scan3A_13 = arith.constant 0 : i32
    %scan3A_14 = arith.constant 1024 : i32
    %scan3A_15 = arith.addi %scan3A_13, %scan3A_14 : i32
    %scan3A_16 = arith.constant 1 : i32
    %scan3A_17 = scf.for %scan3A_37 = %scan3A_13 to %scan3A_15 step %scan3A_16 iter_args(%scan3A_38 = %scan3A_12) -> (i32)  : i32 {
      %jit3A = arith.constant 64 : i32
      %div3A = arith.divsi %scan3A_37, %jit3A : i32
      %sign3A = arith.constant 0 : i32
      %sign3A_39 = arith.cmpi sgt, %scan3A_37, %sign3A : i32
      %sign3A_40 = arith.extui %sign3A_39 : i1 to i32
      %sign3A_41 = arith.constant 0 : i32
      %sign3A_42 = arith.cmpi slt, %scan3A_37, %sign3A_41 : i32
      %sign3A_43 = arith.extui %sign3A_42 : i1 to i32
      %sign3A_44 = arith.subi %sign3A_40, %sign3A_43 : i32
      %sign3A_45 = arith.constant 0 : i32
      %sign3A_46 = arith.cmpi sgt, %jit3A, %sign3A_45 : i32
      %sign3A_47 = arith.extui %sign3A_46 : i1 to i32
      %sign3A_48 = arith.constant 0 : i32
      %sign3A_49 = arith.cmpi slt, %jit3A, %sign3A_48 : i32
      %sign3A_50 = arith.extui %sign3A_49 : i1 to i32
      %sign3A_51 = arith.subi %sign3A_47, %sign3A_50 : i32
      %ne3A = arith.cmpi ne, %sign3A_44, %sign3A_51 : i32
      %rem3A = arith.remsi %scan3A_37, %jit3A : i32
      %ne3A_52 = arith.constant 0 : i32
      %ne3A_53 = arith.cmpi ne, %rem3A, %ne3A_52 : i32
      %and3A = arith.andi %ne3A, %ne3A_53 : i1
      %sub3A = arith.constant 1 : i32
      %sub3A_54 = arith.subi %div3A, %sub3A : i32
      %select_n3A = arith.select %and3A, %sub3A_54, %div3A : i32
      %rem3A_55 = arith.constant 64 : i32
      %rem3A_56 = arith.remsi %scan3A_37, %rem3A_55 : i32
      %mul3A_57 = arith.constant 16 : i32
      %mul3A_58 = arith.muli %rem3A_56, %mul3A_57 : i32
      %swap3A = arith.index_cast %select_n3A : i32 to index
      %swap3A_59 = arith.index_cast %mul3A_58 : i32 to index
      %swap3A_60 = tpu.vector_load %arg6[%swap3A, %swap3A_59] {strides = array<i32>} : memref<16x1024xf32, #tpu.memory_space<vmem>>, vector<16xf32>,
      tpu.vector_store %arg6[%swap3A, %swap3A_59], %broadcast_in_dim3A_3 {strides = array<i32>} : memref<16x1024xf32, #tpu.memory_space<vmem>>, vector<16xf32>,
      %scan3A_61 = arith.constant 0 : i32
      scf.yield %scan3A_61 : i32
    }
    %scan3A_18 = arith.constant 1024 : i32
    %scan3A_19 = arith.constant 0 : i32
    %scan3A_20 = arith.constant 0 : i32
    %scan3A_21 = arith.constant 98 : i32
    %scan3A_22 = arith.addi %scan3A_20, %scan3A_21 : i32
    %scan3A_23 = arith.constant 1 : i32
    %scan3A_24 = scf.for %scan3A_37 = %scan3A_20 to %scan3A_22 step %scan3A_23 iter_args(%scan3A_38 = %scan3A_19) -> (i32)  : i32 {
      %rem3A = arith.constant 2 : i32
      %rem3A_39 = arith.remsi %scan3A_37, %rem3A : i32
      %eq3A = arith.constant 0 : i32
      %eq3A_40 = arith.cmpi eq, %rem3A_39, %eq3A : i32
      %convert_element_type3A = arith.extui %eq3A_40 : i1 to i32
      %cond3A = arith.constant 0 : i32
      %cond3A_41 = arith.cmpi ne, %convert_element_type3A, %cond3A : i32
      scf.if %cond3A_41 {
        %ge3A = arith.constant 2 : i32
        %ge3A_50 = arith.cmpi sge, %scan3A_37, %ge3A : i32
        %convert_element_type3A_51 = arith.extui %ge3A_50 : i1 to i32
        %cond3A_52 = arith.constant 0 : i32
        %cond3A_53 = arith.cmpi ne, %convert_element_type3A_51, %cond3A_52 : i32
        scf.if %cond3A_53 {
          %sub3A = arith.constant 2 : i32
          %sub3A_63 = arith.subi %scan3A_37, %sub3A : i32
          %mul3A_64 = arith.constant 16 : i32
          %mul3A_65 = arith.muli %sub3A_63, %mul3A_64 : i32
          %add3A_66 = arith.addi %mul3A_2, %mul3A_65 : i32
          %dma_wait3A_67 = arith.constant 0 : i32
          %dma_wait3A_68 = tpu.memref_slice %arg3[%add3A_66, %dma_wait3A_67] : memref<50176x1024xf32, #tpu.memory_space<hbm>> -> memref<16x1024xf32, #tpu.memory_space<hbm>>
          %dma_wait3A_69 = arith.constant 0 : i32
          %dma_wait3A_70 = tpu.memref_slice %arg3[%add3A_66, %dma_wait3A_69] : memref<50176x1024xf32, #tpu.memory_space<hbm>> -> memref<16x1024xf32, #tpu.memory_space<hbm>>
          tpu.wait_dma2 semaphore(%arg7 : memref<!tpu.dma_semaphore, #tpu.memory_space<semaphore_mem>>) src(%arg5 : memref<16x1024xf32, #tpu.memory_space<vmem>>) dst(%dma_wait3A_70 : memref<16x1024xf32, #tpu.memory_space<hbm>>)
          %sub3A_71 = arith.constant 2 : i32
          %sub3A_72 = arith.subi %scan3A_37, %sub3A_71 : i32
          %mul3A_73 = arith.constant 16 : i32
          %mul3A_74 = arith.muli %sub3A_72, %mul3A_73 : i32
          %get3A_75 = arith.index_cast %mul3A_74 : i32 to index
          %get3A_76 = tpu.vector_load %arg4[%get3A_75] {strides = array<i32>} : memref<1568xi32, #tpu.memory_space<vmem>>, vector<16xi32>,
          tpu.vector_store_idx %arg5[%iota3A, %get3A_76], %broadcast_in_dim3A_3 : memref<16x1024xf32, #tpu.memory_space<vmem>>[vector<16xi32>, vector<16xi32>], vector<16xf32>,
        } else {
        }
        %mul3A_54 = arith.constant 16 : i32
        %mul3A_55 = arith.muli %scan3A_37, %mul3A_54 : i32
        %get3A = arith.index_cast %mul3A_55 : i32 to index
        %get3A_56 = tpu.vector_load %arg4[%get3A] {strides = array<i32>} : memref<1568xi32, #tpu.memory_space<vmem>>, vector<16xi32>,
        tpu.vector_store_idx %arg5[%iota3A, %get3A_56], %broadcast_in_dim3A_5 : memref<16x1024xf32, #tpu.memory_space<vmem>>[vector<16xi32>, vector<16xi32>], vector<16xf32>,
        %mul3A_57 = arith.constant 16 : i32
        %mul3A_58 = arith.muli %scan3A_37, %mul3A_57 : i32
        %add3A_59 = arith.addi %mul3A_2, %mul3A_58 : i32
        %dma_start3A = arith.constant 0 : i32
        %dma_start3A_60 = tpu.memref_slice %arg3[%add3A_59, %dma_start3A] : memref<50176x1024xf32, #tpu.memory_space<hbm>> -> memref<16x1024xf32, #tpu.memory_space<hbm>>
        %dma_start3A_61 = arith.constant 0 : i32
        %dma_start3A_62 = tpu.memref_slice %arg3[%add3A_59, %dma_start3A_61] : memref<50176x1024xf32, #tpu.memory_space<hbm>> -> memref<16x1024xf32, #tpu.memory_space<hbm>>
        tpu.enqueue_dma source(%arg5 : memref<16x1024xf32, #tpu.memory_space<vmem>>) target(%dma_start3A_62 : memref<16x1024xf32, #tpu.memory_space<hbm>>) target_semaphore(%arg7 : memref<!tpu.dma_semaphore, #tpu.memory_space<semaphore_mem>>)
      } else {
      }
      %rem3A_42 = arith.constant 2 : i32
      %rem3A_43 = arith.remsi %scan3A_37, %rem3A_42 : i32
      %eq3A_44 = arith.constant 1 : i32
      %eq3A_45 = arith.cmpi eq, %rem3A_43, %eq3A_44 : i32
      %convert_element_type3A_46 = arith.extui %eq3A_45 : i1 to i32
      %cond3A_47 = arith.constant 0 : i32
      %cond3A_48 = arith.cmpi ne, %convert_element_type3A_46, %cond3A_47 : i32
      scf.if %cond3A_48 {
        %ge3A = arith.constant 2 : i32
        %ge3A_50 = arith.cmpi sge, %scan3A_37, %ge3A : i32
        %convert_element_type3A_51 = arith.extui %ge3A_50 : i1 to i32
        %cond3A_52 = arith.constant 0 : i32
        %cond3A_53 = arith.cmpi ne, %convert_element_type3A_51, %cond3A_52 : i32
        scf.if %cond3A_53 {
          %sub3A = arith.constant 2 : i32
          %sub3A_63 = arith.subi %scan3A_37, %sub3A : i32
          %mul3A_64 = arith.constant 16 : i32
          %mul3A_65 = arith.muli %sub3A_63, %mul3A_64 : i32
          %add3A_66 = arith.addi %mul3A_2, %mul3A_65 : i32
          %dma_wait3A_67 = arith.constant 0 : i32
          %dma_wait3A_68 = tpu.memref_slice %arg3[%add3A_66, %dma_wait3A_67] : memref<50176x1024xf32, #tpu.memory_space<hbm>> -> memref<16x1024xf32, #tpu.memory_space<hbm>>
          %dma_wait3A_69 = arith.constant 0 : i32
          %dma_wait3A_70 = tpu.memref_slice %arg3[%add3A_66, %dma_wait3A_69] : memref<50176x1024xf32, #tpu.memory_space<hbm>> -> memref<16x1024xf32, #tpu.memory_space<hbm>>
          tpu.wait_dma2 semaphore(%arg8 : memref<!tpu.dma_semaphore, #tpu.memory_space<semaphore_mem>>) src(%arg6 : memref<16x1024xf32, #tpu.memory_space<vmem>>) dst(%dma_wait3A_70 : memref<16x1024xf32, #tpu.memory_space<hbm>>)
          %sub3A_71 = arith.constant 2 : i32
          %sub3A_72 = arith.subi %scan3A_37, %sub3A_71 : i32
          %mul3A_73 = arith.constant 16 : i32
          %mul3A_74 = arith.muli %sub3A_72, %mul3A_73 : i32
          %get3A_75 = arith.index_cast %mul3A_74 : i32 to index
          %get3A_76 = tpu.vector_load %arg4[%get3A_75] {strides = array<i32>} : memref<1568xi32, #tpu.memory_space<vmem>>, vector<16xi32>,
          tpu.vector_store_idx %arg6[%iota3A, %get3A_76], %broadcast_in_dim3A_3 : memref<16x1024xf32, #tpu.memory_space<vmem>>[vector<16xi32>, vector<16xi32>], vector<16xf32>,
        } else {
        }
        %mul3A_54 = arith.constant 16 : i32
        %mul3A_55 = arith.muli %scan3A_37, %mul3A_54 : i32
        %get3A = arith.index_cast %mul3A_55 : i32 to index
        %get3A_56 = tpu.vector_load %arg4[%get3A] {strides = array<i32>} : memref<1568xi32, #tpu.memory_space<vmem>>, vector<16xi32>,
        tpu.vector_store_idx %arg6[%iota3A, %get3A_56], %broadcast_in_dim3A_5 : memref<16x1024xf32, #tpu.memory_space<vmem>>[vector<16xi32>, vector<16xi32>], vector<16xf32>,
        %mul3A_57 = arith.constant 16 : i32
        %mul3A_58 = arith.muli %scan3A_37, %mul3A_57 : i32
        %add3A_59 = arith.addi %mul3A_2, %mul3A_58 : i32
        %dma_start3A = arith.constant 0 : i32
        %dma_start3A_60 = tpu.memref_slice %arg3[%add3A_59, %dma_start3A] : memref<50176x1024xf32, #tpu.memory_space<hbm>> -> memref<16x1024xf32, #tpu.memory_space<hbm>>
        %dma_start3A_61 = arith.constant 0 : i32
        %dma_start3A_62 = tpu.memref_slice %arg3[%add3A_59, %dma_start3A_61] : memref<50176x1024xf32, #tpu.memory_space<hbm>> -> memref<16x1024xf32, #tpu.memory_space<hbm>>
        tpu.enqueue_dma source(%arg6 : memref<16x1024xf32, #tpu.memory_space<vmem>>) target(%dma_start3A_62 : memref<16x1024xf32, #tpu.memory_space<hbm>>) target_semaphore(%arg8 : memref<!tpu.dma_semaphore, #tpu.memory_space<semaphore_mem>>)
      } else {
      }
      %scan3A_49 = arith.constant 0 : i32
      scf.yield %scan3A_49 : i32
    }
    %scan3A_25 = arith.constant 98 : i32
    %add3A_26 = arith.constant 1536 : i32
    %add3A_27 = arith.addi %mul3A_2, %add3A_26 : i32
    %dma_wait3A = arith.constant 0 : i32
    %dma_wait3A_28 = tpu.memref_slice %arg3[%add3A_27, %dma_wait3A] : memref<50176x1024xf32, #tpu.memory_space<hbm>> -> memref<16x1024xf32, #tpu.memory_space<hbm>>
    %dma_wait3A_29 = arith.constant 0 : i32
    %dma_wait3A_30 = tpu.memref_slice %arg3[%add3A_27, %dma_wait3A_29] : memref<50176x1024xf32, #tpu.memory_space<hbm>> -> memref<16x1024xf32, #tpu.memory_space<hbm>>
    tpu.wait_dma2 semaphore(%arg7 : memref<!tpu.dma_semaphore, #tpu.memory_space<semaphore_mem>>) src(%arg5 : memref<16x1024xf32, #tpu.memory_space<vmem>>) dst(%dma_wait3A_30 : memref<16x1024xf32, #tpu.memory_space<hbm>>)
    %add3A_31 = arith.constant 1552 : i32
    %add3A_32 = arith.addi %mul3A_2, %add3A_31 : i32
    %dma_wait3A_33 = arith.constant 0 : i32
    %dma_wait3A_34 = tpu.memref_slice %arg3[%add3A_32, %dma_wait3A_33] : memref<50176x1024xf32, #tpu.memory_space<hbm>> -> memref<16x1024xf32, #tpu.memory_space<hbm>>
    %dma_wait3A_35 = arith.constant 0 : i32
    %dma_wait3A_36 = tpu.memref_slice %arg3[%add3A_32, %dma_wait3A_35] : memref<50176x1024xf32, #tpu.memory_space<hbm>> -> memref<16x1024xf32, #tpu.memory_space<hbm>>
    tpu.wait_dma2 semaphore(%arg8 : memref<!tpu.dma_semaphore, #tpu.memory_space<semaphore_mem>>) src(%arg6 : memref<16x1024xf32, #tpu.memory_space<vmem>>) dst(%dma_wait3A_36 : memref<16x1024xf32, #tpu.memory_space<hbm>>)
    return
  }
}

module attributes {stable_mosaic.version = 14 : i64} {
  func.func @_labels_body(%arg0: i32, %arg1: memref<512x384xf32, #tpu.memory_space<vmem>>, %arg2: memref<1024x384xf32, #tpu.memory_space<vmem>>, %arg3: memref<512x1xi32, #tpu.memory_space<vmem>>, %arg4: memref<1024x384xbf16, #tpu.memory_space<vmem>>, %arg5: memref<1x1024xf32, #tpu.memory_space<vmem>>) attributes {dimension_semantics = [#tpu.dimension_semantics<arbitrary>], iteration_bounds = array<i64: 98>, scalar_prefetch = 0 : i64, scratch_operands = 2 : i64, tpu.core_type = #tpu.core_type<tc>, window_params = [{transform_indices = @transform_0, window_bounds = array<i64: 512, 384>}, {pipeline_mode = #tpu.pipeline_mode<synchronous>, transform_indices = @transform_1, window_bounds = array<i64: 1024, 384>}, {transform_indices = @transform_2, window_bounds = array<i64: 512, 1>}]} {
    %eq3A = arith.constant 0 : i32
    %eq3A_0 = arith.cmpi eq, %arg0, %eq3A : i32
    %convert_element_type3A = arith.extui %eq3A_0 : i1 to i32
    %cond3A = arith.constant 0 : i32
    %cond3A_1 = arith.cmpi ne, %convert_element_type3A, %cond3A : i32
    scf.if %cond3A_1 {
      %get3A_15 = arith.constant 0 : index
      %get3A_16 = arith.constant 0 : index
      %get3A_17 = vector.load %arg2[%get3A_15, %get3A_16] : memref<1024x384xf32, #tpu.memory_space<vmem>>, vector<1024x384xf32>
      %convert_element_type3A_18 = arith.truncf %get3A_17 : vector<1024x384xf32> to vector<1024x384xbf16>
      %swap3A_19 = arith.constant 0 : index
      %swap3A_20 = arith.constant 0 : index
      %swap3A_21 = vector.load %arg4[%swap3A_19, %swap3A_20] : memref<1024x384xbf16, #tpu.memory_space<vmem>>, vector<1024x384xbf16>
      tpu.vector_store %arg4[%swap3A_19, %swap3A_20], %convert_element_type3A_18 {strides = array<i32>} : memref<1024x384xbf16, #tpu.memory_space<vmem>>, vector<1024x384xbf16>,
      %broadcast_in_dim3A_22 = arith.constant 1.000000e+00 : f32
      %broadcast_in_dim3A_23 = vector.broadcast %broadcast_in_dim3A_22 : f32 to vector<1x384xf32>
      %mul3A = arith.mulf %get3A_17, %get3A_17 : vector<1024x384xf32>
      %dot_general3A_24 = arith.constant dense<0.000000e+00> : vector<1x1024xf32>
      %dot_general3A_25 = tpu.matmul %broadcast_in_dim3A_23, %mul3A, %dot_general3A_24 {dimension_numbers = #tpu.dot_dimension_numbers<[1], [1], [0], [0], [0, 0, 1, 0], [], []>, precision = #tpu.contract_precision<fp32>, transpose_lhs_hint = false} : vector<1x384xf32>, vector<1024x384xf32>, vector<1x1024xf32> -> vector<1x1024xf32>
      %mul3A_26 = arith.constant 5.000000e-01 : f32
      %mul3A_27 = vector.broadcast %mul3A_26 : f32 to vector<1x1024xf32>
      %mul3A_28 = arith.mulf %mul3A_27, %dot_general3A_25 : vector<1x1024xf32>
      %swap3A_29 = arith.constant 0 : index
      %swap3A_30 = arith.constant 0 : index
      %swap3A_31 = vector.load %arg5[%swap3A_29, %swap3A_30] : memref<1x1024xf32, #tpu.memory_space<vmem>>, vector<1x1024xf32>
      tpu.vector_store %arg5[%swap3A_29, %swap3A_30], %mul3A_28 {strides = array<i32>} : memref<1x1024xf32, #tpu.memory_space<vmem>>, vector<1x1024xf32>,
    } else {
    }
    %get3A = arith.constant 0 : index
    %get3A_2 = arith.constant 0 : index
    %get3A_3 = vector.load %arg1[%get3A, %get3A_2] : memref<512x384xf32, #tpu.memory_space<vmem>>, vector<512x384xf32>
    %convert_element_type3A_4 = arith.truncf %get3A_3 : vector<512x384xf32> to vector<512x384xbf16>
    %get3A_5 = arith.constant 0 : index
    %get3A_6 = arith.constant 0 : index
    %get3A_7 = vector.load %arg4[%get3A_5, %get3A_6] : memref<1024x384xbf16, #tpu.memory_space<vmem>>, vector<1024x384xbf16>
    %dot_general3A = arith.constant dense<0.000000e+00> : vector<512x1024xf32>
    %dot_general3A_8 = tpu.matmul %convert_element_type3A_4, %get3A_7, %dot_general3A {dimension_numbers = #tpu.dot_dimension_numbers<[1], [1], [0], [0], [0, 0, 1, 0], [], []>, transpose_lhs_hint = false} : vector<512x384xbf16>, vector<1024x384xbf16>, vector<512x1024xf32> -> vector<512x1024xf32>
    %get3A_9 = arith.constant 0 : index
    %get3A_10 = arith.constant 0 : index
    %get3A_11 = vector.load %arg5[%get3A_9, %get3A_10] : memref<1x1024xf32, #tpu.memory_space<vmem>>, vector<1x1024xf32>
    %sub3A = vector.broadcast %get3A_11 : vector<1x1024xf32> to vector<512x1024xf32>
    %sub3A_12 = arith.subf %dot_general3A_8, %sub3A : vector<512x1024xf32>
    %argmax3A = tpu.reduce_index %sub3A_12 {axis = 1 : i32, kind = #tpu.reduction_kind<arg_max>} : vector<512x1024xf32> -> vector<512xi32>
    %broadcast_in_dim3A = vector.shape_cast %argmax3A : vector<512xi32> to vector<512x1xi32>
    %swap3A = arith.constant 0 : index
    %swap3A_13 = arith.constant 0 : index
    %swap3A_14 = vector.load %arg3[%swap3A, %swap3A_13] : memref<512x1xi32, #tpu.memory_space<vmem>>, vector<512x1xi32>
    tpu.vector_store %arg3[%swap3A, %swap3A_13], %broadcast_in_dim3A {strides = array<i32>} : memref<512x1xi32, #tpu.memory_space<vmem>>, vector<512x1xi32>,
    return
  }
  func.func @transform_0(%arg0: i32) -> (i32, i32) {
    %c0_i32 = arith.constant 0 : i32
    %c0_i32_0 = arith.constant 0 : i32
    return %arg0, %c0_i32 : i32, i32
  }
  func.func @transform_1(%arg0: i32) -> (i32, i32) {
    %c0_i32 = arith.constant 0 : i32
    %c0_i32_0 = arith.constant 0 : i32
    %c0_i32_1 = arith.constant 0 : i32
    return %c0_i32, %c0_i32_0 : i32, i32
  }
  func.func @transform_2(%arg0: i32) -> (i32, i32) {
    %c0_i32 = arith.constant 0 : i32
    %c0_i32_0 = arith.constant 0 : i32
    return %arg0, %c0_i32 : i32, i32
  }
}

</mosaic_0001>

<sc_bundles>
// kernel: kernel.4.cloned.1.call-start
scs
__scs_entry_jumppad:
0x0: {  	(pc) =	sbr.rel $0x88, $3  }
0x1: {  	(tag) =	ssettag $0x0;
	lr =	simm.s32 $0x1  }
0x2: {  	[smem:$0x3F9F] =	sst lr;
	_ =	strace $0xD0000000  }
0x3: {  	_ = 	snop  }
0x4: {  	_ = 	snop  }
0x5: {  	_ = 	snop  }
0x6: {  	_ = 	snop  }
0x7: {  	_ = 	snop  }
__scs_overlays_trampoline_lowered:
0x8: {  	[smem:$0x3FAE] =	sst s0  }
0x9: {  	[smem:$0x3FAF] =	sst s1  }
0xa: {  	[smem:$0x3FB0] =	sst s2  }
0xb: {  	[smem:$0x3FB1] =	sst s3  }
0xc: {  	[smem:$0x3FB2] =	sst s4  }
0xd: {  	[smem:$0x3FB3] =	sst s5  }
0xe: {  	[smem:$0x3FB4] =	sst s6  }
0xf: {  	[smem:$0x3FB5] =	sst s7  }
0x10: {  	[smem:$0x3FB6] =	sst s8  }
0x11: {  	[smem:$0x3FB7] =	sst s9;
	s0 =	simm.s32 @!p0 $0x0  }
0x12: {  	s1 =	sld [smem:$0x3F9D];
	s0 =	simm.s32 @p0 $0x1  }
0x13: {  	[smem:$0x3FB8] =	sst s0;
	s0 =	simm.s32 @!p1 $0x0  }
0x14: {  	s2 =	sld [smem:$0x3F9C];
	s0 =	simm.s32 @p1 $0x1  }
0x15: {  	[smem:$0x3FB9] =	sst s0;
	s0 =	simm.s32 @!p2 $0x0  }
0x16: {  	s3 =	sld [smem:$0x3FDB];
	s0 =	simm.s32 @p2 $0x1  }
0x17: {  	s4 =	simm.s32 $0x1BF5;
	[smem:$0x3FBB] =	sst s0  }
0x18: {  	s0 =	sld [smem:$0x3F9E];
	_ =	swait.ge [sflag:s4], $0x0  }
0x19: {  	s7 =	sld [smem:$0x3F9F]  }
0x1a: {  	s8 =	sadd.s32 $0xFFFFE003, lr  }
0x1b: {  	s9 =	sadd.s32 $0xFFFFFEF7, lr;
	s5 =	simm.s32 $0xFFFFFFFF;
	p2 =	slt.u32 s8, $0xFFFFF086  }
0x1c: {  	p1 =	slt.u32 s9, $0xF7A;
	s5 =	simm.s32 @!p2 $0x0  }
0x1d: {  	s5 =	simm.s32 @p1 $0x1;
	p0 =	seq.s32 s7, s2  }
0x1e: {  	s7 =	smul.u32 @!p0 $0xF7A, s2;
	p2 =	seq.s32 @!p0 s5, $0x0  }
0x1f: {  	s9 =	smul.u32 $0xF7A, s1;
	s8 =	simm.s32 @!p0 $0x1BF5;
	p2 =	por !p2, p0  }
0x20: {  	[sflag:s8] =	ssyncset.s32 @!p0 $0xFFFFF086;
	s6 =	sadd.s32 @!p0 s3, s7;
	s7 =	simm.s32 @!p0 $0x108  }
0x21: {  	s3 =	sadd.s32 s3, s9;
	s6 =	sadd.s32 @!p0 $0x88, s6;
	s7 =	simm.s32 @p2 $0x1082  }
0x22: {  	[simem:s7], [sflag:s8] =	dma.local @!p0 [hbm:s6], $0xF7A  }
0x23: {  	s9 =	sor.u32 $0xD0000000, s2;
	s6 =	simm.s32 $0x108;
	_ =	swait.ge @!p0 [sflag:s8], $0x0  }
0x24: {  	s3 =	sadd.s32 $0x88, s3;
	s6 =	simm.s32 @!p1 $0x1082;
	[sflag:s4] =	ssyncset.s32 $0xFFFFF086  }
0x25: {  	[simem:s6], [sflag:s4] =	dma.local [hbm:s3], $0xF7A  }
0x26: {  	[smem:$0x3F9F] =	sst s1;
	(tag) =	ssettag s2;
	_ =	strace s9  }
0x27: {  	s1 =	sld [smem:$0x3FAF]  }
0x28: {  	s2 =	sld [smem:$0x3FB0]  }
0x29: {  	s4 =	sld [smem:$0x3FB2]  }
0x2a: {  	p0 =	seq.s32 s5, $0x0;
	s5 =	sld [smem:$0x3FB3]  }
0x2b: {  	s6 =	sld [smem:$0x3FB4]  }
0x2c: {  	s7 =	sld [smem:$0x3FB5]  }
0x2d: {  	s3 =	simm.s32 $0x108;
	s8 =	sld [smem:$0x3FB6]  }
0x2e: {  	s3 =	simm.s32 @!p0 $0x1082;
	s9 =	sld [smem:$0x3FB7]  }
0x2f: {  	lr =	sadd.s32 s0, s3;
	s0 =	sld [smem:$0x3FAE]  }
0x30: {  	s3 =	sld [smem:$0x3FB1]  }
0x31: {  	[smem:$0x3FBA] =	sst s10  }
0x32: {  	s10 =	sld [smem:$0x3FB8];
	_ =	sdelay $0x3  }
0x33: {  	p0 =	seq.s32 s10, $0x1;
	s10 =	sld [smem:$0x3FBA];
	_ =	sdelay $0x3  }
0x34: {  	[smem:$0x3FBA] =	sst s10  }
0x35: {  	s10 =	sld [smem:$0x3FB9];
	_ =	sdelay $0x3  }
0x36: {  	p1 =	seq.s32 s10, $0x1;
	s10 =	sld [smem:$0x3FBA];
	_ =	sdelay $0x3  }
0x37: {  	[smem:$0x3FBA] =	sst s10  }
0x38: {  	s10 =	sld [smem:$0x3FBB]  }
0x39: {  	_ = 	snop;
	(pc) =	sbr.ind lr, $3  }
0x3a: {  	_ = 	snop  }
0x3b: {  	_ = 	snop  }
0x3c: {  	p2 =	seq.s32 s10, $0x1;
	s10 =	sld [smem:$0x3FBA]  }
0x3d: {  	_ =	shalt  }
0x3e: {  	_ =	shalt  }
0x3f: {  	_ =	shalt  }
0x40: {  	_ =	shalt  }
0x41: {  	_ =	shalt  }
0x42: {  	_ =	shalt  }
0x43: {  	_ =	shalt  }
0x44: {  	_ =	shalt  }
0x45: {  	_ =	shalt  }
0x46: {  	_ =	shalt  }
0x47: {  	_ =	shalt  }
0x48: {  	_ =	shalt  }
0x49: {  	_ =	shalt  }
0x4a: {  	_ =	shalt  }
0x4b: {  	_ =	shalt  }
0x4c: {  	_ =	shalt  }
0x4d: {  	_ =	shalt  }
0x4e: {  	_ =	shalt  }
0x4f: {  	_ =	shalt  }
0x50: {  	_ =	shalt  }
0x51: {  	_ =	shalt  }
0x52: {  	_ =	shalt  }
0x53: {  	_ =	shalt  }
0x54: {  	_ =	shalt  }
0x55: {  	_ =	shalt  }
0x56: {  	_ =	shalt  }
0x57: {  	_ =	shalt  }
0x58: {  	_ =	shalt  }
0x59: {  	_ =	shalt  }
0x5a: {  	_ =	shalt  }
0x5b: {  	_ =	shalt  }
0x5c: {  	_ =	shalt  }
0x5d: {  	_ =	shalt  }
0x5e: {  	_ =	shalt  }
0x5f: {  	_ =	shalt  }
0x60: {  	_ =	shalt  }
0x61: {  	_ =	shalt  }
0x62: {  	_ =	shalt  }
0x63: {  	_ =	shalt  }
0x64: {  	_ =	shalt  }
0x65: {  	_ =	shalt  }
0x66: {  	_ =	shalt  }
0x67: {  	_ =	shalt  }
0x68: {  	_ =	shalt  }
0x69: {  	_ =	shalt  }
0x6a: {  	_ =	shalt  }
0x6b: {  	_ =	shalt  }
0x6c: {  	_ =	shalt  }
0x6d: {  	_ =	shalt  }
0x6e: {  	_ =	shalt  }
0x6f: {  	_ =	shalt  }
0x70: {  	_ =	shalt  }
0x71: {  	_ =	shalt  }
0x72: {  	_ =	shalt  }
0x73: {  	_ =	shalt  }
0x74: {  	_ =	shalt  }
0x75: {  	_ =	shalt  }
0x76: {  	_ =	shalt  }
0x77: {  	_ =	shalt  }
0x78: {  	_ =	shalt  }
0x79: {  	_ =	shalt  }
0x7a: {  	_ =	shalt  }
0x7b: {  	_ =	shalt  }
0x7c: {  	_ =	shalt  }
0x7d: {  	_ =	shalt  }
0x7e: {  	_ =	shalt  }
0x7f: {  	_ =	shalt  }
0x80: {  	_ =	shalt  }
0x81: {  	_ =	shalt  }
0x82: {  	_ =	shalt  }
0x83: {  	_ =	shalt  }
0x84: {  	_ =	shalt  }
0x85: {  	_ =	shalt  }
0x86: {  	_ =	shalt  }
0x87: {  	_ =	shalt  }
.Lfunc_end0:
.L_simem_size_0:
called_computation_lowered:
.L_overlay_start_0:
0x88: {  	s2 =	sld [smem:$0x3FD9]  }
0x89: {  	s3 =	sld [smem:$0x3FFE];
	_ =	sdelay $0x1  }
0x8a: {  	s1 =	srdreg.scid  }
0x8b: {  	s0 =	sand.u32 $0x1, s1  }
0x8c: {  	s16 =	sshll.u32 s0, $0xA;
	s2 =	sadd.s32 s3, s2  }
0x8d: {  	s2 =	sadd.s32 s2, s16  }
0x8e: {  	[smem:$0x3FC6] =	sst s2  }
0x8f: {  	_ = 	snop  }
0x90: {  	(tm) =	ssettm $0x1  }
0x91: {  	s17 =	sld [smem:$0x3FFB];
	_ =	sdelay $0x3  }
0x92: {  	_ =	strace s17  }
0x93: {  	s2 =	sld [smem:$0x3FFC];
	_ =	sdelay $0x3  }
0x94: {  	_ =	strace s2  }
0x95: {  	s2 =	sld [smem:$0x3FFD];
	_ =	sdelay $0x3  }
0x96: {  	_ =	strace s2  }
0x97: {  	_ =	strace $0x8FFFFFFF  }
0x98: {  	s18 =	sld [smem:$0x3FDB];
	_ =	sdelay $0x1  }
0x99: {  	s19 =	simm.s32 $_scs_section_size  }
0x9a: {  	s4 =	simm.s32 $_size__tile_overlayer_lowered;
	s5 =	simm.s32 $_tile_overlayer_lowered  }
0x9b: {  	s22 =	simm.s32 $0x1BFF;
	s21 =	sshll.u32 s5, $0x1;
	s2 =	sadd.s32 s19, s18  }
0x9c: {  	s6 =	simm.s32 $0x0;
	s20 =	sshll.u32 s4, $0x1;
	s4 =	sadd.s32 s21, s2  }
0x9d: {  	[timem:s6], [sflag:s22] =	dma.local [hbm:s4], s20  }
0x9e: {  	_ =	swait.ge [sflag:s22], s20  }
0x9f: {  	s3 =	ssub.s32 $0x0, s20;
	[sflag:s22] =	ssyncset.done $0x0  }
0xa0: {  	[sflag:s22] =	ssyncadd.s32 s3;
	_ =	sdelay $0x1  }
0xa1: {  	s23 =	simm.s32 $0x1B8B  }
0xa2: {  	_ =	swait.ge [sflag:s23], $0x1  }
0xa3: {  	[sflag:s23] =	ssyncset.done $0x0  }
0xa4: {  	s25 =	simm.s32 $0x1B8E;
	s24 =	sld [smem:$0x3FFE];
	[sflag:s23] =	ssyncadd.s32 $0xFFFFFFFF  }
0xa5: {  	s26 =	simm.s32 $execute0_lowered;
	[smem:$0x3FD2] =	sst s25  }
0xa6: {  	s4 =	sshll.u32 s26, $0x1;
	_ =	strace $0x80000046;
	[dreg:$0x1] =	wrdreg $0xFFFFFFFF  }
0xa7: {  	s28 =	simm.s32 $_size_execute0_lowered;
	s2 =	sadd.s32 s2, s4;
	[dreg:$0x0] =	wrdreg $0x0  }
0xa8: {  	s4 =	sshll.u32 s28, $0x1;
	[dreg:$0x2] =	wrdreg s2  }
0xa9: {  	[dreg:$0x3] =	wrdreg s4  }
0xaa: {  	[dreg:$0x4] =	wrdreg $0xC0  }
0xab: {  	_ =	task [dreg:s6], $0x5FFFF  }
0xac: {  	[dreg:$0x1] =	wrdreg $0xFFFFFFFF  }
0xad: {  	[dreg:$0x0] =	wrdreg $0x60  }
0xae: {  	[dreg:$0x2] =	wrdreg s24  }
0xaf: {  	[dreg:$0x3] =	wrdreg $0x9  }
0xb0: {  	_ =	task.clear_ibuf [dreg:s6], $0x4FFFF;
	_ =	strace $0x90000046  }
0xb1: {  	s29 =	simm.s32 $0x9;
	_ =	strace $0x80000048  }
0xb2: {  	_ =	swait.ge [sflag:s29], $0x1  }
0xb3: {  	[sflag:s29] =	ssyncadd.s32 $0xFFFFFFFF  }
0xb4: {  	_ =	strace $0x90000048  }
0xb5: {  	_ =	sfence  }
0xb6: {  	s30 =	sld [smem:$0x0];
	_ =	sdelay $0x2  }
0xb7: {  	s31 =	sshll.u32 s1, $0xD;
	s1 =	sshrl.u32 s1, $0x2  }
0xb8: {  	s3 =	sand.u32 $0x4000, s31;
	s1 =	sadd.s32 s1, s30  }
0xb9: {  	s0 =	sor.u32 s3, s0;
	s1 =	sshll.u32 s1, $0x11  }
0xba: {  	s0 =	sor.u32 s1, s0  }
0xbb: {  	s0 =	sadd.s32 $0x8F2B, s0  }
0xbc: {  	[sflag:s0] =	ssyncadd.remote.s32 $0x1  }
0xbd: {  	_ =	sfence.sel $0xFFFF  }
0xbe: {  	[dreg:$0x0] =	wrdreg $0xFFFFFFFF;
	(pc) =	sbr.abs _section_cstart, $3  }
0xbf: {  	[dreg:$0x1] =	wrdreg $0xFFFFFFFF  }
0xc0: {  	_ =	task.clear_ibuf [dreg:s6], $0x2FFFF;
	_ =	strace $0x9FFFFFFF  }
0xc1: {  	(tm) =	ssettm $0x7FFFFFFF  }
tec
execute0_lowered:
.L_overlay_start_1:
0x0: {  	(tag) =	ssettag $0x1  }
0x1: {  	s1 =	srdreg.scid;
	s0 =	stileid.u32  }
0x2: {  	s3 =	rddreg [dreg:$0x0];
	s4 =	sand.u32 $0x1, s1;
	s5 =	sshll.u32 s0, $0x1  }
0x3: {  	s2 =	simm.s32 $0x0;
	s1 =	rddreg [dreg:$0x1];
	s5 =	sor.u32 s4, s5  }
0x4: {  	s10 =	simm.s32 $0x0;
	[smem:$0x7FF] =	sst s2;
	s5 =	smul.u32 $0x620, s5  }
0x5: {  	s7 =	smul.u32 $0x62000, s0;
	_ =	strace $0x80000047;
	s6 =	ssub.s32 $0x2, s4  }
0x6: {  	s9 =	smul.u32 $0x31000, s4;
	s8 =	sshrl.u32 s6, $0x1;
	s5 =	sshrl.u32 s5, $0x3  }
0x7: {  	s6 =	ssub.s32 s6, s8;
	s8 =	simm.s32 $0x1;
	s5 =	sadd.s32 s5, s3  }
0x8: {  	s3 =	sadd.s32 $0x1C00, s3;
	s4 =	sadd.s32 $0x200, s5;
	s5 =	smax.u32 s6, $0x1  }
0x9: {  	v0 =	vimm.f32 $0.0e+00;
	s6 =	sadd.s32 s9, s7;
	s7 =	simm.s32 $0x3;
	s9 =	simm.s32 $0x2  }
.LBB2_1:
0xa: {  	[tilespmem:s2], [sflag:$0x3] =	stream.linear.gather [hbm4b:s4+s2], $0x620, $0x38;
	[tilespmem:$0x8620] =	vst v63  }
0xb: {  	_ =	swait.ge [sflag:s7], $0x620  }
0xc: {  	s12 =	sand.u32 $0xFFC0, s2;
	[sflag:s7] =	ssyncset.done $0x0  }
0xd: {  	s11 =	simm.s32 $0x40;
	s12 =	sshrl.u32 s12, $0x2;
	[sflag:s7] =	ssyncadd.s32 $0xFFFFF9E0  }
.LBB2_2:
0xe: {  	p0 =	sne.s32 s11, $0xFFC0;
	[tilespmem:s12+$0x620] =	vst v0;
	s12 =	smov.u32 s11;
	s11 =	sadd.s32 $0x40, s11  }
.Ltmp0:
0xf: {  	(pc) =	sbr.rel @p0 .LBB2_2-.Ltmp0, $3  }
0x10: {  	_ =	sdelay $0x1  }
0x11: {  	s12 =	sand.u32 $0xFFC0, s12  }
0x12: {  	s12 =	sshrl.u32 s12, $0x2  }
0x13: {  	s11 =	simm.s32 $0x0  }
0x14: {  	s13 =	sand.u32 $0xFFC0, s11  }
0x15: {  	[tilespmem:s12+$0x620] =	vst v0;
	s12 =	simm.s32 $0x40;
	s13 =	sshrl.u32 s13, $0x2  }
.LBB2_4:
0x16: {  	p0 =	sne.s32 s12, $0xFFC0;
	[tilespmem:s13+$0x4620] =	vst v0;
	s13 =	smov.u32 s12;
	s12 =	sadd.s32 $0x40, s12  }
.Ltmp1:
0x17: {  	(pc) =	sbr.rel @p0 .LBB2_4-.Ltmp1, $3  }
0x18: {  	_ =	sdelay $0x1  }
0x19: {  	s13 =	sand.u32 $0xFFC0, s13  }
0x1a: {  	s13 =	sshrl.u32 s13, $0x2  }
0x1b: {  	[tilespmem:s13+$0x4620] =	vst v0;
	s12 =	smov.u32 s6;
	s13 =	simm.s32 $0x0  }
.LBB2_6:
0x1c: {  	s14 =	sand.u32 $0x1, s13  }
0x1d: {  	p0 =	seq.s32 s14, $0x1  }
0x1e: {  	p1 =	slt.u32 @p0 s13, $0x2  }
0x1f: {  	p1 =	por p1, !p0  }
0x20: {  	s14 =	simm.s32 @!p1 $0x2  }
0x21: {  	_ =	swait.ge @!p1 [sflag:s14], $0x4000  }
0x22: {  	[sflag:s14] =	ssyncset.done @!p1 $0x0  }
0x23: {  	[sflag:s14] =	ssyncadd.s32 @!p1 $0xFFFFC000  }
0x24: {  	v1 =	vld @!p1 [tilespmem:s11+$0xFFFFFFE0];
	_ =	sdelay $0x1  }
0x25: {  	v2 =	vlaneseq.u32 @!p1  }
0x26: {  	v2 =	vmul.u32 @!p1 $0x400, v2;
	_ =	sdelay $0x1  }
0x27: {  	v1 =	vadd.s32 @!p1 v2, v1;
	_ =	sdelay $0x3  }
0x28: {  	s14 =	simm.s32 @!p1 $0x4620;
	v2 =	vimm.f32 @!p1 $0.0e+00  }
0x29: {  	[tilespmem:v1+s14+$0x0] =	vst.idx.msk @!p1 $0xffff, v2  }
0x2a: {  	v1 =	vld @p0 [tilespmem:s11+$0x0];
	_ =	sdelay $0x1  }
0x2b: {  	v2 =	vlaneseq.u32 @p0  }
0x2c: {  	v2 =	vmul.u32 @p0 $0x400, v2;
	_ =	sdelay $0x1  }
0x2d: {  	v1 =	vadd.s32 @p0 v2, v1;
	_ =	sdelay $0x3  }
0x2e: {  	s14 =	simm.s32 @p0 $0x4620;
	p1 =	slt.u32 @!p0 s13, $0x2;
	v2 =	vimm.f32 @p0 $1.000000000e+00  }
0x2f: {  	s15 =	sadd.s32 @p0 s12, s3;
	s16 =	simm.s32 @p0 $0x0;
	p1 =	por p1, p0;
	[tilespmem:v1+s14+$0x0] =	vst.idx.msk @p0 $0xffff, v2  }
0x30: {  	[hbm4b:s15+s16] =	stream.linear.scatter @p0 [tilespmem:s14], [sflag:$0x2], $0x4000, $0x38;
	[tilespmem:$0x8620] =	vst v63  }
0x31: {  	s14 =	simm.s32 @!p1 $0x1  }
0x32: {  	_ =	swait.ge @!p1 [sflag:s14], $0x4000  }
0x33: {  	[sflag:s14] =	ssyncset.done @!p1 $0x0  }
0x34: {  	[sflag:s14] =	ssyncadd.s32 @!p1 $0xFFFFC000  }
0x35: {  	v1 =	vld @!p1 [tilespmem:s11+$0xFFFFFFE0];
	_ =	sdelay $0x1  }
0x36: {  	v2 =	vlaneseq.u32 @!p1  }
0x37: {  	v2 =	vmul.u32 @!p1 $0x400, v2;
	_ =	sdelay $0x1  }
0x38: {  	v1 =	vadd.s32 @!p1 v2, v1;
	_ =	sdelay $0x3  }
0x39: {  	s14 =	simm.s32 @!p1 $0x620;
	v2 =	vimm.f32 @!p1 $0.0e+00  }
0x3a: {  	[tilespmem:v1+s14+$0x0] =	vst.idx.msk @!p1 $0xffff, v2  }
0x3b: {  	v1 =	vld @!p0 [tilespmem:s11+$0x0];
	_ =	sdelay $0x1  }
0x3c: {  	v2 =	vlaneseq.u32 @!p0  }
0x3d: {  	v2 =	vmul.u32 @!p0 $0x400, v2;
	_ =	sdelay $0x1  }
0x3e: {  	v1 =	vadd.s32 @!p0 v2, v1;
	_ =	sdelay $0x3  }
0x3f: {  	s15 =	sand.u32 @!p0 $0x1FFFF000, s12;
	s14 =	simm.s32 @!p0 $0x620;
	v2 =	vimm.f32 @!p0 $1.000000000e+00  }
0x40: {  	s13 =	sadd.s32 $0x1, s13;
	s16 =	simm.s32 @!p0 $0x0;
	s15 =	sadd.s32 @!p0 s3, s15;
	[tilespmem:v1+s14+$0x0] =	vst.idx.msk @!p0 $0xffff, v2  }
0x41: {  	[hbm4b:s15+s16] =	stream.linear.scatter @!p0 [tilespmem:s14], [sflag:$0x1], $0x4000, $0x38;
	[tilespmem:$0x8620] =	vst v63  }
0x42: {  	p0 =	sne.s32 s13, $0x62  }
.Ltmp2:
0x43: {  	_ = 	snop;
	(pc) =	sbr.rel @p0 .LBB2_6-.Ltmp2, $2  }
0x44: {  	_ =	sdelay $0x2  }
0x45: {  	s12 =	sadd.s32 $0x800, s12;
	s11 =	sadd.s32 $0x10, s11  }
0x46: {  	s10 =	sadd.s32 $0x1, s10  }
0x47: {  	_ =	swait.ge [sflag:s8], $0x4000;
	p0 =	sne.s32 s10, s5  }
.Ltmp3:
0x48: {  	[sflag:s8] =	ssyncset.done $0x0;
	(pc) =	sbr.rel @p0 .LBB2_1-.Ltmp3, $4  }
0x49: {  	[sflag:s8] =	ssyncadd.s32 $0xFFFFC000  }
0x4a: {  	_ =	swait.ge [sflag:s9], $0x4000  }
0x4b: {  	[sflag:s9] =	ssyncset.done $0x0  }
0x4c: {  	[sflag:s9] =	ssyncadd.s32 $0xFFFFC000  }
0x4d: {  	_ =	sfence.sel $0x180000  }
0x4e: {  	[bflag:$0x0] =	sbarrier.arrive $0xFFFF  }
0x4f: {  	p0 =	sne.s32 s0, $0x0;
	_ =	strace $0x90000047  }
0x50: {  	s0 =	sadd.s32 @!p0 $0x100000, s1;
	[bflag:$0x2] =	sbarrier.arrive $0xFFFF  }
0x51: {  	[sflag:s0] =	ssyncadd.tile.s32 @!p0 $0x1;
	_ =	shalt  }
.Lfunc_end2:
_tile_overlayer_lowered:
.L_overlay_start_2:
0x52: {  	(tag) =	ssettag $0x2  }
0x53: {  	s0 =	rddreg [dreg:$0x0];
	s2 =	stileid.u32  }
0x54: {  	s1 =	rddreg [dreg:$0x1];
	p0 =	sne.s32 s2, $0x0  }
0x55: {  	s3 =	rddreg [dreg:$0x2];
	[bflag:$0x3] =	sbarrier.arrive $0xFFFF;
	s2 =	simm.s32 @!p0 $0x1C03  }
0x56: {  	[timem:s3], [sflag:s2] =	dma.local @!p0 [hbm:s0], s1  }
0x57: {  	s0 =	simm.s32 @!p0 $0x3  }
0x58: {  	_ =	swait.ge @!p0 [sflag:s0], s1  }
0x59: {  	s1 =	ssub.s32 @!p0 $0x0, s1;
	[sflag:s0] =	ssyncset.done @!p0 $0x0  }
0x5a: {  	[sflag:s0] =	ssyncadd.s32 @!p0 s1  }
0x5b: {  	[bflag:$0x3] =	sbarrier.arrive $0xFFFF  }
0x5c: {  	_ =	shalt  }

</sc_bundles>
